<compile_context>
chip_gen: v7x
topology: tpu7x:2x2x1
jax: 0.10.2.dev20260603
libtpu: 0.0.44.dev20260713+nightly
codegen_flags: <defaults>
</compile_context>

<pallas_src>
import functools

import jax
import jax.numpy as jnp
from jax import lax
from jax.experimental import pallas as pl
from jax.experimental.pallas import tpu as pltpu
from jax.experimental.pallas import tpu_sc as plsc

NUM_RETRIEVAL = 4
KINEMATIC_COEF = 0.1
EPS = 1e-8
KEY_BLOCK = 2048


def _make_score_topk(B, D, K, BK):
    nblk = pl.cdiv(K, BK)

    BIGF = 3.0e8

    def body(q_ref, k_ref, ml_ref, len_ref, ov_ref, oi_ref, qn_ref):
        i = pl.program_id(0)

        @pl.when(i == 0)
        def _init():
            q = q_ref[...]
            qn_ref[...] = q / (jnp.sqrt(jnp.sum(q * q, axis=1, keepdims=True)) + EPS)

        k = k_ref[...]
        kn = k / (jnp.sqrt(jnp.sum(k * k, axis=1, keepdims=True)) + EPS)
        sem = lax.dot_general(qn_ref[...], kn, (((1,), (1,)), ((), ())),
                              preferred_element_type=jnp.float32)

        mlf = jnp.maximum(ml_ref[...].astype(jnp.float32), 1.0)
        lf = jnp.maximum(len_ref[...].astype(jnp.float32), 1.0)
        rel = jnp.abs(mlf - lf) / jnp.maximum(mlf, lf)
        score = sem * jnp.exp(rel * (-KINEMATIC_COEF))

        lcol = lax.broadcasted_iota(jnp.int32, (B, BK), 1).astype(jnp.float32)
        score = lax.cond(
            i == nblk - 1,
            lambda sc: jnp.where(lcol < jnp.float32(K - i * BK), sc, -jnp.inf),
            lambda sc: sc,
            score)

        bv, bi = [], []
        s = score
        for _ in range(NUM_RETRIEVAL):
            m = jnp.max(s, axis=1, keepdims=True)
            am = jnp.min(jnp.where(s == m, lcol, BIGF), axis=1, keepdims=True)
            bv.append(m)
            bi.append(am)
            s = jnp.where(lcol == am, -jnp.inf, s)
        blk_v = jnp.concatenate(bv, axis=1)
        blk_i = jnp.concatenate(bi, axis=1) + jnp.float32(i * BK)

        ov_ref[...] = blk_v.reshape(1, B, NUM_RETRIEVAL)
        oi_ref[...] = blk_i.reshape(1, B, NUM_RETRIEVAL)

    return pl.pallas_call(
        body,
        grid=(nblk,),
        in_specs=[
            pl.BlockSpec((B, D), lambda i: (0, 0)),
            pl.BlockSpec((BK, D), lambda i: (i, 0)),
            pl.BlockSpec((1, BK), lambda i: (0, i)),
            pl.BlockSpec((B, 1), lambda i: (0, 0)),
        ],
        out_specs=[
            pl.BlockSpec((1, B, NUM_RETRIEVAL), lambda i: (i, 0, 0)),
            pl.BlockSpec((1, B, NUM_RETRIEVAL), lambda i: (i, 0, 0)),
        ],
        out_shape=[
            jax.ShapeDtypeStruct((nblk, B, NUM_RETRIEVAL), jnp.float32),
            jax.ShapeDtypeStruct((nblk, B, NUM_RETRIEVAL), jnp.float32),
        ],
        scratch_shapes=[pltpu.VMEM((B, D), jnp.float32)],
    )


def _make_merge(B, NC):
    BIGF = 3.0e8

    def body(v_ref, i_ref, vals_ref, idx_ref):
        V = v_ref[...]
        I = i_ref[...]
        fv, fi = [], []
        for _ in range(NUM_RETRIEVAL):
            m = jnp.max(V, axis=1, keepdims=True)
            p = jnp.min(jnp.where(V == m, I, BIGF), axis=1, keepdims=True)
            fv.append(m)
            fi.append(p)
            V = jnp.where(I == p, -jnp.inf, V)
        vals_ref[...] = jnp.concatenate(fv, axis=1)
        idx_ref[...] = jnp.concatenate(fi, axis=1).astype(jnp.int32)

    return pl.pallas_call(
        body,
        out_shape=[
            jax.ShapeDtypeStruct((B, NUM_RETRIEVAL), jnp.float32),
            jax.ShapeDtypeStruct((B, NUM_RETRIEVAL), jnp.int32),
        ],
    )


def _make_project(N, D):
    def body(g_ref, w_ref, b_ref, o_ref):
        o_ref[...] = lax.dot_general(
            g_ref[...], w_ref[...], (((1,), (0,)), ((), ())),
            preferred_element_type=jnp.float32) + b_ref[...]

    return pl.pallas_call(
        body,
        out_shape=jax.ShapeDtypeStruct((N, D), jnp.float32),
    )


def _sc_gather(table, idx_flat):
    N = idx_flat.shape[0]
    D = table.shape[1]
    info = plsc.get_sparse_core_info()
    NC, NS = info.num_cores, info.num_subcores
    NW = NC * NS
    b_per_w = N // NW
    mesh = plsc.VectorSubcoreMesh(core_axis_name="c", subcore_axis_name="s")

    @functools.partial(
        pl.kernel,
        mesh=mesh,
        out_type=jax.ShapeDtypeStruct((N, D), jnp.float32),
        scratch_types=[
            pltpu.VMEM((b_per_w,), jnp.int32),
            pltpu.VMEM((b_per_w, D), jnp.float32),
            pltpu.SemaphoreType.DMA,
        ],
    )
    def gather_k(table_hbm, idx_hbm, out_hbm, idx_v, rows_v, sem):
        wid = lax.axis_index("s") * NC + lax.axis_index("c")
        base = wid * b_per_w
        pltpu.sync_copy(idx_hbm.at[pl.ds(base, b_per_w)], idx_v)
        pltpu.async_copy(table_hbm.at[idx_v], rows_v, sem).wait()
        pltpu.sync_copy(rows_v, out_hbm.at[pl.ds(base, b_per_w)])

    return gather_k(table, idx_flat)


def kernel(query_features, text_features, m_lengths, lengths, W_proj, b_proj):
    B, D = query_features.shape
    K = text_features.shape[0]
    score_topk = _make_score_topk(B, D, K, KEY_BLOCK)
    cand_v, cand_i = score_topk(
        query_features, text_features,
        m_lengths.reshape(1, K), lengths.reshape(B, 1))
    nblk = cand_v.shape[0]
    nc = nblk * NUM_RETRIEVAL
    cv = jnp.transpose(cand_v, (1, 0, 2)).reshape(B, nc)
    ci = jnp.transpose(cand_i, (1, 0, 2)).reshape(B, nc)
    top_scores, top_idx = _make_merge(B, nc)(cv, ci)
    idx_flat = top_idx.reshape(-1)
    gathered = _sc_gather(text_features, idx_flat)
    re_flat = _make_project(B * NUM_RETRIEVAL, D)(
        gathered, W_proj, b_proj.reshape(1, D))
    return top_scores, top_idx, re_flat.reshape(B, NUM_RETRIEVAL, D)

# --- scband reference (transcript-rebuilt; emitter-appended) ---
"""Pipeline reference for scband-retrieval-database-1769526526134 (READ-ONLY COPY).

The authoritative reference and input builder live on the scoring server;
editing this copy changes nothing except your own understanding.
"""

import jax, jax.numpy as jnp
import numpy as np

NUM_RETRIEVAL = 4
KINEMATIC_COEF = 0.1


def setup_inputs(seed: int = 0) -> dict:
    key = jax.random.key(seed)
    k1, k2, k3, k4, k5 = jax.random.split(key, 5)
    query_features = jax.random.normal(k1, (512, 512), dtype=jnp.float32)
    text_features = jax.random.normal(k2, (100000, 512), dtype=jnp.float32)
    m_lengths = jax.random.randint(k3, (100000,), 1, 196, dtype=jnp.int32)
    lengths = jax.random.randint(k4, (512,), 1, 196, dtype=jnp.int32)
    # learned params of motion_proj-style linear applied to retrieved features
    W_proj = jax.random.normal(k5, (512, 512), dtype=jnp.float32) * (1.0 / np.sqrt(512.0))
    b_proj = jnp.zeros((512,), dtype=jnp.float32)
    return {
        "query_features": query_features,
        "text_features": text_features,
        "m_lengths": m_lengths,
        "lengths": lengths,
        "W_proj": W_proj,
        "b_proj": b_proj,
    }


def reference(query_features, text_features, m_lengths, lengths, W_proj, b_proj):
    eps = 1e-8
    # F.cosine_similarity(self.text_features, text_feature), batched over queries
    qn = query_features / (jnp.linalg.norm(query_features, axis=-1, keepdims=True) + eps)
    kn = text_features / (jnp.linalg.norm(text_features, axis=-1, keepdims=True) + eps)
    semantic_score = qn @ kn.T  # [B, K]
    # rel_length = |m_lengths - length| / clamp(m_lengths, min=length)
    ml = jnp.maximum(m_lengths.astype(jnp.float32), 1.0)  # [K]
    L = jnp.maximum(lengths.astype(jnp.float32), 1.0)     # [B]
    rel_length = jnp.abs(ml[None, :] - L[:, None]) / jnp.maximum(ml[None, :], L[:, None])
    kinematic_score = jnp.exp(-rel_length * KINEMATIC_COEF)
    score = semantic_score * kinematic_score  # [B, K]
    # argsort(score, descending) truncated to num_retrieval == top_k
    top_scores, top_idx = jax.lax.top_k(score, NUM_RETRIEVAL)  # [B, R]
    # gather retrieved entries and project (motion_proj analogue)
    gathered = jnp.take(text_features, top_idx, axis=0)  # [B, R, 512]
    re_feat = gathered @ W_proj + b_proj                  # [B, R, 512]
    return top_scores, top_idx, re_feat

if __name__ == "__main__":
    import jax
    _d = setup_inputs()
    print(jax.jit(kernel)(*tuple(_d.values())))

</pallas_src>

<mosaic_0001>
#map = affine_map<(d0, d1) -> (0, 0)>
#map1 = affine_map<(d0, d1) -> (0)>
module attributes {stable_mosaic.version = 14 : i64} {
  func.func @gather_k(%arg0: i32, %arg1: i32, %arg2: memref<100000x512xf32, #tpu.memory_space<hbm>>, %arg3: memref<2048xi32, #tpu.memory_space<hbm>>, %arg4: memref<2048x512xf32, #tpu.memory_space<hbm>>, %arg5: memref<64xi32, #tpu.memory_space<vmem>>, %arg6: memref<64x512xf32, #tpu.memory_space<vmem>>, %arg7: memref<!tpu.dma_semaphore, #tpu.memory_space<semaphore_mem>>) attributes {dimension_semantics = [#tpu.dimension_semantics<core_parallel>, #tpu.dimension_semantics<subcore_parallel>], iteration_bounds = array<i64: 2, 16>, scalar_prefetch = 0 : i64, scratch_operands = 3 : i64, tpu.core_type = #tpu.core_type<sc_vector_subcore>, window_params = [{transform_indices = #map}, {transform_indices = #map1}, {transform_indices = #map}]} {
    %mul3A = arith.constant 2 : i32
    %mul3A_0 = arith.muli %arg1, %mul3A : i32
    %add3A = arith.addi %mul3A_0, %arg0 : i32
    %mul3A_1 = arith.constant 64 : i32
    %mul3A_2 = arith.muli %add3A, %mul3A_1 : i32
    "tpu.region"() ({
      %run_scoped3A = tpu.sem_alloc : memref<!tpu.dma_semaphore, #tpu.memory_space<semaphore_mem>>
      %dma_start3A_7 = tpu.memref_slice %arg3[%mul3A_2] : memref<2048xi32, #tpu.memory_space<hbm>> -> memref<64xi32, #tpu.memory_space<hbm>>
      %dma_start3A_8 = tpu.memref_slice %arg3[%mul3A_2] : memref<2048xi32, #tpu.memory_space<hbm>> -> memref<64xi32, #tpu.memory_space<hbm>>
      tpu.enqueue_dma source(%dma_start3A_8 : memref<64xi32, #tpu.memory_space<hbm>>) target(%arg5 : memref<64xi32, #tpu.memory_space<vmem>>) target_semaphore(%run_scoped3A : memref<!tpu.dma_semaphore, #tpu.memory_space<semaphore_mem>>)
      %dma_wait3A_9 = tpu.memref_slice %arg3[%mul3A_2] : memref<2048xi32, #tpu.memory_space<hbm>> -> memref<64xi32, #tpu.memory_space<hbm>>
      %dma_wait3A_10 = tpu.memref_slice %arg3[%mul3A_2] : memref<2048xi32, #tpu.memory_space<hbm>> -> memref<64xi32, #tpu.memory_space<hbm>>
      tpu.wait_dma2 semaphore(%run_scoped3A : memref<!tpu.dma_semaphore, #tpu.memory_space<semaphore_mem>>) src(%dma_wait3A_10 : memref<64xi32, #tpu.memory_space<hbm>>) dst(%arg5 : memref<64xi32, #tpu.memory_space<vmem>>)
      tpu.yield
    }) : () -> ()
    %dma_start3A = arith.constant 0 : i32
    %dma_start3A_3 = arith.constant 0 : i32
    %dma_start3A_4 = tpu.memref_slice %arg2[%dma_start3A, %dma_start3A_3] : memref<100000x512xf32, #tpu.memory_space<hbm>> -> memref<100000x512xf32, #tpu.memory_space<hbm>>
    tpu.enqueue_indirect_dma source(%dma_start3A_4 : memref<100000x512xf32, #tpu.memory_space<hbm>>) target(%arg6 : memref<64x512xf32, #tpu.memory_space<vmem>>) offsets(%arg5 : memref<64xi32, #tpu.memory_space<vmem>>) semaphore(%arg7 : memref<!tpu.dma_semaphore, #tpu.memory_space<semaphore_mem>>)
    %dma_wait3A = arith.constant 0 : i32
    %dma_wait3A_5 = arith.constant 0 : i32
    %dma_wait3A_6 = tpu.memref_slice %arg2[%dma_wait3A, %dma_wait3A_5] : memref<100000x512xf32, #tpu.memory_space<hbm>> -> memref<100000x512xf32, #tpu.memory_space<hbm>>
    tpu.wait_indirect_dma semaphore(%arg7 : memref<!tpu.dma_semaphore, #tpu.memory_space<semaphore_mem>>) src(%dma_wait3A_6 : memref<100000x512xf32, #tpu.memory_space<hbm>>) dst(%arg6 : memref<64x512xf32, #tpu.memory_space<vmem>>)
    "tpu.region"() ({
      %run_scoped3A = tpu.sem_alloc : memref<!tpu.dma_semaphore, #tpu.memory_space<semaphore_mem>>
      %dma_start3A_7 = arith.constant 0 : i32
      %dma_start3A_8 = tpu.memref_slice %arg4[%mul3A_2, %dma_start3A_7] : memref<2048x512xf32, #tpu.memory_space<hbm>> -> memref<64x512xf32, #tpu.memory_space<hbm>>
      %dma_start3A_9 = arith.constant 0 : i32
      %dma_start3A_10 = tpu.memref_slice %arg4[%mul3A_2, %dma_start3A_9] : memref<2048x512xf32, #tpu.memory_space<hbm>> -> memref<64x512xf32, #tpu.memory_space<hbm>>
      tpu.enqueue_dma source(%arg6 : memref<64x512xf32, #tpu.memory_space<vmem>>) target(%dma_start3A_10 : memref<64x512xf32, #tpu.memory_space<hbm>>) target_semaphore(%run_scoped3A : memref<!tpu.dma_semaphore, #tpu.memory_space<semaphore_mem>>)
      %dma_wait3A_11 = arith.constant 0 : i32
      %dma_wait3A_12 = tpu.memref_slice %arg4[%mul3A_2, %dma_wait3A_11] : memref<2048x512xf32, #tpu.memory_space<hbm>> -> memref<64x512xf32, #tpu.memory_space<hbm>>
      %dma_wait3A_13 = arith.constant 0 : i32
      %dma_wait3A_14 = tpu.memref_slice %arg4[%mul3A_2, %dma_wait3A_13] : memref<2048x512xf32, #tpu.memory_space<hbm>> -> memref<64x512xf32, #tpu.memory_space<hbm>>
      tpu.wait_dma2 semaphore(%run_scoped3A : memref<!tpu.dma_semaphore, #tpu.memory_space<semaphore_mem>>) src(%arg6 : memref<64x512xf32, #tpu.memory_space<vmem>>) dst(%dma_wait3A_14 : memref<64x512xf32, #tpu.memory_space<hbm>>)
      tpu.yield
    }) : () -> ()
    return
  }
}

module attributes {stable_mosaic.version = 14 : i64} {
  func.func @body(%arg0: i32, %arg1: memref<512x512xf32, #tpu.memory_space<vmem>>, %arg2: memref<2048x512xf32, #tpu.memory_space<vmem>>, %arg3: memref<1x2048xi32, #tpu.memory_space<vmem>>, %arg4: memref<512x1xi32, #tpu.memory_space<vmem>>, %arg5: memref<1x512x4xf32, #tpu.memory_space<vmem>>, %arg6: memref<1x512x4xf32, #tpu.memory_space<vmem>>, %arg7: memref<512x512xf32, #tpu.memory_space<vmem>>) attributes {dimension_semantics = [#tpu.dimension_semantics<arbitrary>], iteration_bounds = array<i64: 49>, scalar_prefetch = 0 : i64, scratch_operands = 1 : i64, tpu.core_type = #tpu.core_type<tc>, window_params = [{pipeline_mode = #tpu.pipeline_mode<synchronous>, transform_indices = @transform_0, window_bounds = array<i64: 512, 512>}, {transform_indices = @transform_1, window_bounds = array<i64: 2048, 512>}, {transform_indices = @transform_2, window_bounds = array<i64: 1, 2048>}, {pipeline_mode = #tpu.pipeline_mode<synchronous>, transform_indices = @transform_3, window_bounds = array<i64: 512, 1>}, {transform_indices = @transform_4, window_bounds = array<i64: 1, 512, 4>}, {transform_indices = @transform_5, window_bounds = array<i64: 1, 512, 4>}]} {
    %eq3A = arith.constant 0 : i32
    %eq3A_0 = arith.cmpi eq, %arg0, %eq3A : i32
    %convert_element_type3A = arith.extui %eq3A_0 : i1 to i32
    %cond3A = arith.constant 0 : i32
    %cond3A_1 = arith.cmpi ne, %convert_element_type3A, %cond3A : i32
    scf.if %cond3A_1 {
      %get3A_111 = arith.constant 0 : index
      %get3A_112 = arith.constant 0 : index
      %get3A_113 = vector.load %arg1[%get3A_111, %get3A_112] : memref<512x512xf32, #tpu.memory_space<vmem>>, vector<512x512xf32>
      %mul3A_114 = arith.mulf %get3A_113, %get3A_113 : vector<512x512xf32>
      %reduce_sum3A_115 = arith.constant dense<0.000000e+00> : vector<512xf32>
      %reduce_sum3A_116 = vector.multi_reduction <add>, %mul3A_114, %reduce_sum3A_115 [1] : vector<512x512xf32> to vector<512xf32>
      %broadcast_in_dim3A_117 = vector.shape_cast %reduce_sum3A_116 : vector<512xf32> to vector<512x1xf32>
      %sqrt3A_118 = math.sqrt %broadcast_in_dim3A_117 : vector<512x1xf32>
      %add3A_119 = arith.constant 9.99999993E-9 : f32
      %add3A_120 = vector.broadcast %add3A_119 : f32 to vector<512x1xf32>
      %add3A_121 = arith.addf %sqrt3A_118, %add3A_120 : vector<512x1xf32>
      %div3A_122 = vector.broadcast %add3A_121 : vector<512x1xf32> to vector<512x512xf32>
      %div3A_123 = arith.divf %get3A_113, %div3A_122 : vector<512x512xf32>
      %swap3A_124 = arith.constant 0 : index
      %swap3A_125 = arith.constant 0 : index
      %swap3A_126 = vector.load %arg7[%swap3A_124, %swap3A_125] : memref<512x512xf32, #tpu.memory_space<vmem>>, vector<512x512xf32>
      tpu.vector_store %arg7[%swap3A_124, %swap3A_125], %div3A_123 {strides = array<i32>} : memref<512x512xf32, #tpu.memory_space<vmem>>, vector<512x512xf32>,
    } else {
    }
    %get3A = arith.constant 0 : index
    %get3A_2 = arith.constant 0 : index
    %get3A_3 = vector.load %arg2[%get3A, %get3A_2] : memref<2048x512xf32, #tpu.memory_space<vmem>>, vector<2048x512xf32>
    %mul3A = arith.mulf %get3A_3, %get3A_3 : vector<2048x512xf32>
    %reduce_sum3A = arith.constant dense<0.000000e+00> : vector<2048xf32>
    %reduce_sum3A_4 = vector.multi_reduction <add>, %mul3A, %reduce_sum3A [1] : vector<2048x512xf32> to vector<2048xf32>
    %broadcast_in_dim3A = vector.shape_cast %reduce_sum3A_4 : vector<2048xf32> to vector<2048x1xf32>
    %sqrt3A = math.sqrt %broadcast_in_dim3A : vector<2048x1xf32>
    %add3A = arith.constant 9.99999993E-9 : f32
    %add3A_5 = vector.broadcast %add3A : f32 to vector<2048x1xf32>
    %add3A_6 = arith.addf %sqrt3A, %add3A_5 : vector<2048x1xf32>
    %div3A = vector.broadcast %add3A_6 : vector<2048x1xf32> to vector<2048x512xf32>
    %div3A_7 = arith.divf %get3A_3, %div3A : vector<2048x512xf32>
    %get3A_8 = arith.constant 0 : index
    %get3A_9 = arith.constant 0 : index
    %get3A_10 = vector.load %arg7[%get3A_8, %get3A_9] : memref<512x512xf32, #tpu.memory_space<vmem>>, vector<512x512xf32>
    %dot_general3A = arith.constant dense<0.000000e+00> : vector<512x2048xf32>
    %dot_general3A_11 = tpu.matmul %get3A_10, %div3A_7, %dot_general3A {dimension_numbers = #tpu.dot_dimension_numbers<[1], [1], [0], [0], [0, 0, 1, 0], [], []>, transpose_lhs_hint = false} : vector<512x512xf32>, vector<2048x512xf32>, vector<512x2048xf32> -> vector<512x2048xf32>
    %get3A_12 = arith.constant 0 : index
    %get3A_13 = arith.constant 0 : index
    %get3A_14 = vector.load %arg3[%get3A_12, %get3A_13] : memref<1x2048xi32, #tpu.memory_space<vmem>>, vector<1x2048xi32>
    %convert_element_type3A_15 = arith.sitofp %get3A_14 : vector<1x2048xi32> to vector<1x2048xf32>
    %max3A = arith.constant 1.000000e+00 : f32
    %max3A_16 = vector.broadcast %max3A : f32 to vector<1x2048xf32>
    %max3A_17 = arith.maximumf %convert_element_type3A_15, %max3A_16 : vector<1x2048xf32>
    %get3A_18 = arith.constant 0 : index
    %get3A_19 = arith.constant 0 : index
    %get3A_20 = vector.load %arg4[%get3A_18, %get3A_19] : memref<512x1xi32, #tpu.memory_space<vmem>>, vector<512x1xi32>
    %convert_element_type3A_21 = arith.sitofp %get3A_20 : vector<512x1xi32> to vector<512x1xf32>
    %max3A_22 = arith.constant 1.000000e+00 : f32
    %max3A_23 = vector.broadcast %max3A_22 : f32 to vector<512x1xf32>
    %max3A_24 = arith.maximumf %convert_element_type3A_21, %max3A_23 : vector<512x1xf32>
    %sub3A = vector.broadcast %max3A_17 : vector<1x2048xf32> to vector<512x2048xf32>
    %sub3A_25 = vector.broadcast %max3A_24 : vector<512x1xf32> to vector<512x2048xf32>
    %sub3A_26 = arith.subf %sub3A, %sub3A_25 : vector<512x2048xf32>
    %abs3A = math.absf %sub3A_26 : vector<512x2048xf32>
    %max3A_27 = vector.broadcast %max3A_17 : vector<1x2048xf32> to vector<512x2048xf32>
    %max3A_28 = vector.broadcast %max3A_24 : vector<512x1xf32> to vector<512x2048xf32>
    %max3A_29 = arith.maximumf %max3A_27, %max3A_28 : vector<512x2048xf32>
    %div3A_30 = arith.divf %abs3A, %max3A_29 : vector<512x2048xf32>
    %mul3A_31 = arith.constant -1.000000e-01 : f32
    %mul3A_32 = vector.broadcast %mul3A_31 : f32 to vector<512x2048xf32>
    %mul3A_33 = arith.mulf %div3A_30, %mul3A_32 : vector<512x2048xf32>
    %exp3A = math.exp %mul3A_33 : vector<512x2048xf32>
    %mul3A_34 = arith.mulf %dot_general3A_11, %exp3A : vector<512x2048xf32>
    %iota3A = tpu.iota {dimensions = array<i32: 1>} : vector<512x2048xi32>
    %convert_element_type3A_35 = arith.sitofp %iota3A : vector<512x2048xi32> to vector<512x2048xf32>
    %eq3A_36 = arith.constant 48 : i32
    %eq3A_37 = arith.cmpi eq, %arg0, %eq3A_36 : i32
    %convert_element_type3A_38 = arith.extui %eq3A_37 : i1 to i32
    %cond3A_39 = arith.constant 0 : i32
    %cond3A_40 = arith.cmpi ne, %convert_element_type3A_38, %cond3A_39 : i32
    %cond3A_41 = scf.if %cond3A_40 -> (vector<512x2048xf32>) {
      %mul3A_111 = arith.constant 2048 : i32
      %mul3A_112 = arith.muli %arg0, %mul3A_111 : i32
      %sub3A_113 = arith.constant 100000 : i32
      %sub3A_114 = arith.subi %sub3A_113, %mul3A_112 : i32
      %convert_element_type3A_115 = arith.sitofp %sub3A_114 : i32 to f32
      %lt3A = vector.broadcast %convert_element_type3A_115 : f32 to vector<512x2048xf32>
      %lt3A_116 = arith.cmpf olt, %convert_element_type3A_35, %lt3A : vector<512x2048xf32>
      %jit3A_117 = arith.constant 0xFF800000 : f32
      %broadcast_in_dim3A_118 = vector.broadcast %jit3A_117 : f32 to vector<512x2048xf32>
      %select_n3A_119 = arith.select %lt3A_116, %mul3A_34, %broadcast_in_dim3A_118 : vector<512x2048xi1>, vector<512x2048xf32>
      scf.yield %select_n3A_119 : vector<512x2048xf32>
    } else {
      scf.yield %mul3A_34 : vector<512x2048xf32>
    }
    %reduce_max3A = arith.constant dense<0xFF800000> : vector<512xf32>
    %reduce_max3A_42 = vector.multi_reduction <maximumf>, %cond3A_41, %reduce_max3A [1] : vector<512x2048xf32> to vector<512xf32>
    %broadcast_in_dim3A_43 = vector.shape_cast %reduce_max3A_42 : vector<512xf32> to vector<512x1xf32>
    %eq3A_44 = vector.broadcast %broadcast_in_dim3A_43 : vector<512x1xf32> to vector<512x2048xf32>
    %eq3A_45 = arith.cmpf oeq, %cond3A_41, %eq3A_44 : vector<512x2048xf32>
    %jit3A = arith.constant 3.000000e+08 : f32
    %broadcast_in_dim3A_46 = vector.broadcast %jit3A : f32 to vector<512x2048xf32>
    %select_n3A = arith.select %eq3A_45, %convert_element_type3A_35, %broadcast_in_dim3A_46 : vector<512x2048xi1>, vector<512x2048xf32>
    %reduce_min3A = arith.constant dense<0x7F800000> : vector<512xf32>
    %reduce_min3A_47 = vector.multi_reduction <minimumf>, %select_n3A, %reduce_min3A [1] : vector<512x2048xf32> to vector<512xf32>
    %broadcast_in_dim3A_48 = vector.shape_cast %reduce_min3A_47 : vector<512xf32> to vector<512x1xf32>
    %eq3A_49 = vector.broadcast %broadcast_in_dim3A_48 : vector<512x1xf32> to vector<512x2048xf32>
    %eq3A_50 = arith.cmpf oeq, %convert_element_type3A_35, %eq3A_49 : vector<512x2048xf32>
    %jit3A_51 = arith.constant 0xFF800000 : f32
    %broadcast_in_dim3A_52 = vector.broadcast %jit3A_51 : f32 to vector<512x2048xf32>
    %select_n3A_53 = arith.select %eq3A_50, %broadcast_in_dim3A_52, %cond3A_41 : vector<512x2048xi1>, vector<512x2048xf32>
    %reduce_max3A_54 = arith.constant dense<0xFF800000> : vector<512xf32>
    %reduce_max3A_55 = vector.multi_reduction <maximumf>, %select_n3A_53, %reduce_max3A_54 [1] : vector<512x2048xf32> to vector<512xf32>
    %broadcast_in_dim3A_56 = vector.shape_cast %reduce_max3A_55 : vector<512xf32> to vector<512x1xf32>
    %eq3A_57 = vector.broadcast %broadcast_in_dim3A_56 : vector<512x1xf32> to vector<512x2048xf32>
    %eq3A_58 = arith.cmpf oeq, %select_n3A_53, %eq3A_57 : vector<512x2048xf32>
    %jit3A_59 = arith.constant 3.000000e+08 : f32
    %broadcast_in_dim3A_60 = vector.broadcast %jit3A_59 : f32 to vector<512x2048xf32>
    %select_n3A_61 = arith.select %eq3A_58, %convert_element_type3A_35, %broadcast_in_dim3A_60 : vector<512x2048xi1>, vector<512x2048xf32>
    %reduce_min3A_62 = arith.constant dense<0x7F800000> : vector<512xf32>
    %reduce_min3A_63 = vector.multi_reduction <minimumf>, %select_n3A_61, %reduce_min3A_62 [1] : vector<512x2048xf32> to vector<512xf32>
    %broadcast_in_dim3A_64 = vector.shape_cast %reduce_min3A_63 : vector<512xf32> to vector<512x1xf32>
    %eq3A_65 = vector.broadcast %broadcast_in_dim3A_64 : vector<512x1xf32> to vector<512x2048xf32>
    %eq3A_66 = arith.cmpf oeq, %convert_element_type3A_35, %eq3A_65 : vector<512x2048xf32>
    %jit3A_67 = arith.constant 0xFF800000 : f32
    %broadcast_in_dim3A_68 = vector.broadcast %jit3A_67 : f32 to vector<512x2048xf32>
    %select_n3A_69 = arith.select %eq3A_66, %broadcast_in_dim3A_68, %select_n3A_53 : vector<512x2048xi1>, vector<512x2048xf32>
    %reduce_max3A_70 = arith.constant dense<0xFF800000> : vector<512xf32>
    %reduce_max3A_71 = vector.multi_reduction <maximumf>, %select_n3A_69, %reduce_max3A_70 [1] : vector<512x2048xf32> to vector<512xf32>
    %broadcast_in_dim3A_72 = vector.shape_cast %reduce_max3A_71 : vector<512xf32> to vector<512x1xf32>
    %eq3A_73 = vector.broadcast %broadcast_in_dim3A_72 : vector<512x1xf32> to vector<512x2048xf32>
    %eq3A_74 = arith.cmpf oeq, %select_n3A_69, %eq3A_73 : vector<512x2048xf32>
    %jit3A_75 = arith.constant 3.000000e+08 : f32
    %broadcast_in_dim3A_76 = vector.broadcast %jit3A_75 : f32 to vector<512x2048xf32>
    %select_n3A_77 = arith.select %eq3A_74, %convert_element_type3A_35, %broadcast_in_dim3A_76 : vector<512x2048xi1>, vector<512x2048xf32>
    %reduce_min3A_78 = arith.constant dense<0x7F800000> : vector<512xf32>
    %reduce_min3A_79 = vector.multi_reduction <minimumf>, %select_n3A_77, %reduce_min3A_78 [1] : vector<512x2048xf32> to vector<512xf32>
    %broadcast_in_dim3A_80 = vector.shape_cast %reduce_min3A_79 : vector<512xf32> to vector<512x1xf32>
    %eq3A_81 = vector.broadcast %broadcast_in_dim3A_80 : vector<512x1xf32> to vector<512x2048xf32>
    %eq3A_82 = arith.cmpf oeq, %convert_element_type3A_35, %eq3A_81 : vector<512x2048xf32>
    %jit3A_83 = arith.constant 0xFF800000 : f32
    %broadcast_in_dim3A_84 = vector.broadcast %jit3A_83 : f32 to vector<512x2048xf32>
    %select_n3A_85 = arith.select %eq3A_82, %broadcast_in_dim3A_84, %select_n3A_69 : vector<512x2048xi1>, vector<512x2048xf32>
    %reduce_max3A_86 = arith.constant dense<0xFF800000> : vector<512xf32>
    %reduce_max3A_87 = vector.multi_reduction <maximumf>, %select_n3A_85, %reduce_max3A_86 [1] : vector<512x2048xf32> to vector<512xf32>
    %broadcast_in_dim3A_88 = vector.shape_cast %reduce_max3A_87 : vector<512xf32> to vector<512x1xf32>
    %eq3A_89 = vector.broadcast %broadcast_in_dim3A_88 : vector<512x1xf32> to vector<512x2048xf32>
    %eq3A_90 = arith.cmpf oeq, %select_n3A_85, %eq3A_89 : vector<512x2048xf32>
    %jit3A_91 = arith.constant 3.000000e+08 : f32
    %broadcast_in_dim3A_92 = vector.broadcast %jit3A_91 : f32 to vector<512x2048xf32>
    %select_n3A_93 = arith.select %eq3A_90, %convert_element_type3A_35, %broadcast_in_dim3A_92 : vector<512x2048xi1>, vector<512x2048xf32>
    %reduce_min3A_94 = arith.constant dense<0x7F800000> : vector<512xf32>
    %reduce_min3A_95 = vector.multi_reduction <minimumf>, %select_n3A_93, %reduce_min3A_94 [1] : vector<512x2048xf32> to vector<512xf32>
    %broadcast_in_dim3A_96 = vector.shape_cast %reduce_min3A_95 : vector<512xf32> to vector<512x1xf32>
    %concatenate3A = tpu.concatenate %broadcast_in_dim3A_43, %broadcast_in_dim3A_56, %broadcast_in_dim3A_72, %broadcast_in_dim3A_88 in 1 : vector<512x1xf32>, vector<512x1xf32>, vector<512x1xf32>, vector<512x1xf32> -> vector<512x4xf32>
    %concatenate3A_97 = tpu.concatenate %broadcast_in_dim3A_48, %broadcast_in_dim3A_64, %broadcast_in_dim3A_80, %broadcast_in_dim3A_96 in 1 : vector<512x1xf32>, vector<512x1xf32>, vector<512x1xf32>, vector<512x1xf32> -> vector<512x4xf32>
    %mul3A_98 = arith.constant 2048 : i32
    %mul3A_99 = arith.muli %arg0, %mul3A_98 : i32
    %convert_element_type3A_100 = arith.sitofp %mul3A_99 : i32 to f32
    %add3A_101 = vector.broadcast %convert_element_type3A_100 : f32 to vector<512x4xf32>
    %add3A_102 = arith.addf %concatenate3A_97, %add3A_101 : vector<512x4xf32>
    %reshape3A = vector.shape_cast %concatenate3A : vector<512x4xf32> to vector<1x512x4xf32>
    %swap3A = arith.constant 0 : index
    %swap3A_103 = arith.constant 0 : index
    %swap3A_104 = arith.constant 0 : index
    %swap3A_105 = vector.load %arg5[%swap3A, %swap3A_103, %swap3A_104] : memref<1x512x4xf32, #tpu.memory_space<vmem>>, vector<1x512x4xf32>
    tpu.vector_store %arg5[%swap3A, %swap3A_103, %swap3A_104], %reshape3A {strides = array<i32>} : memref<1x512x4xf32, #tpu.memory_space<vmem>>, vector<1x512x4xf32>,
    %reshape3A_106 = vector.shape_cast %add3A_102 : vector<512x4xf32> to vector<1x512x4xf32>
    %swap3A_107 = arith.constant 0 : index
    %swap3A_108 = arith.constant 0 : index
    %swap3A_109 = arith.constant 0 : index
    %swap3A_110 = vector.load %arg6[%swap3A_107, %swap3A_108, %swap3A_109] : memref<1x512x4xf32, #tpu.memory_space<vmem>>, vector<1x512x4xf32>
    tpu.vector_store %arg6[%swap3A_107, %swap3A_108, %swap3A_109], %reshape3A_106 {strides = array<i32>} : memref<1x512x4xf32, #tpu.memory_space<vmem>>, vector<1x512x4xf32>,
    return
  }
  func.func @transform_0(%arg0: i32) -> (i32, i32) {
    %c0_i32 = arith.constant 0 : i32
    %c0_i32_0 = arith.constant 0 : i32
    %c0_i32_1 = arith.constant 0 : i32
    return %c0_i32, %c0_i32_0 : i32, i32
  }
  func.func @transform_1(%arg0: i32) -> (i32, i32) {
    %c0_i32 = arith.constant 0 : i32
    %c0_i32_0 = arith.constant 0 : i32
    return %arg0, %c0_i32 : i32, i32
  }
  func.func @transform_2(%arg0: i32) -> (i32, i32) {
    %c0_i32 = arith.constant 0 : i32
    %c0_i32_0 = arith.constant 0 : i32
    return %c0_i32, %arg0 : i32, i32
  }
  func.func @transform_3(%arg0: i32) -> (i32, i32) {
    %c0_i32 = arith.constant 0 : i32
    %c0_i32_0 = arith.constant 0 : i32
    %c0_i32_1 = arith.constant 0 : i32
    return %c0_i32, %c0_i32_0 : i32, i32
  }
  func.func @transform_4(%arg0: i32) -> (i32, i32, i32) {
    %c0_i32 = arith.constant 0 : i32
    %c0_i32_0 = arith.constant 0 : i32
    %c0_i32_1 = arith.constant 0 : i32
    return %arg0, %c0_i32, %c0_i32_0 : i32, i32, i32
  }
  func.func @transform_5(%arg0: i32) -> (i32, i32, i32) {
    %c0_i32 = arith.constant 0 : i32
    %c0_i32_0 = arith.constant 0 : i32
    %c0_i32_1 = arith.constant 0 : i32
    return %arg0, %c0_i32, %c0_i32_0 : i32, i32, i32
  }
}

module attributes {stable_mosaic.version = 14 : i64} {
  func.func @body(%arg0: memref<512x196xf32, #tpu.memory_space<vmem>>, %arg1: memref<512x196xf32, #tpu.memory_space<vmem>>, %arg2: memref<512x4xf32, #tpu.memory_space<vmem>>, %arg3: memref<512x4xi32, #tpu.memory_space<vmem>>) attributes {dimension_semantics = [], scalar_prefetch = 0 : i64, scratch_operands = 0 : i64, tpu.core_type = #tpu.core_type<tc>} {
    %get3A = arith.constant 0 : index
    %get3A_0 = arith.constant 0 : index
    %get3A_1 = vector.load %arg0[%get3A, %get3A_0] : memref<512x196xf32, #tpu.memory_space<vmem>>, vector<512x196xf32>
    %get3A_2 = arith.constant 0 : index
    %get3A_3 = arith.constant 0 : index
    %get3A_4 = vector.load %arg1[%get3A_2, %get3A_3] : memref<512x196xf32, #tpu.memory_space<vmem>>, vector<512x196xf32>
    %reduce_max3A = arith.constant dense<0xFF800000> : vector<512xf32>
    %reduce_max3A_5 = vector.multi_reduction <maximumf>, %get3A_1, %reduce_max3A [1] : vector<512x196xf32> to vector<512xf32>
    %broadcast_in_dim3A = vector.shape_cast %reduce_max3A_5 : vector<512xf32> to vector<512x1xf32>
    %eq3A = vector.broadcast %broadcast_in_dim3A : vector<512x1xf32> to vector<512x196xf32>
    %eq3A_6 = arith.cmpf oeq, %get3A_1, %eq3A : vector<512x196xf32>
    %jit3A = arith.constant 3.000000e+08 : f32
    %broadcast_in_dim3A_7 = vector.broadcast %jit3A : f32 to vector<512x196xf32>
    %select_n3A = arith.select %eq3A_6, %get3A_4, %broadcast_in_dim3A_7 : vector<512x196xi1>, vector<512x196xf32>
    %reduce_min3A = arith.constant dense<0x7F800000> : vector<512xf32>
    %reduce_min3A_8 = vector.multi_reduction <minimumf>, %select_n3A, %reduce_min3A [1] : vector<512x196xf32> to vector<512xf32>
    %broadcast_in_dim3A_9 = vector.shape_cast %reduce_min3A_8 : vector<512xf32> to vector<512x1xf32>
    %eq3A_10 = vector.broadcast %broadcast_in_dim3A_9 : vector<512x1xf32> to vector<512x196xf32>
    %eq3A_11 = arith.cmpf oeq, %get3A_4, %eq3A_10 : vector<512x196xf32>
    %jit3A_12 = arith.constant 0xFF800000 : f32
    %broadcast_in_dim3A_13 = vector.broadcast %jit3A_12 : f32 to vector<512x196xf32>
    %select_n3A_14 = arith.select %eq3A_11, %broadcast_in_dim3A_13, %get3A_1 : vector<512x196xi1>, vector<512x196xf32>
    %reduce_max3A_15 = arith.constant dense<0xFF800000> : vector<512xf32>
    %reduce_max3A_16 = vector.multi_reduction <maximumf>, %select_n3A_14, %reduce_max3A_15 [1] : vector<512x196xf32> to vector<512xf32>
    %broadcast_in_dim3A_17 = vector.shape_cast %reduce_max3A_16 : vector<512xf32> to vector<512x1xf32>
    %eq3A_18 = vector.broadcast %broadcast_in_dim3A_17 : vector<512x1xf32> to vector<512x196xf32>
    %eq3A_19 = arith.cmpf oeq, %select_n3A_14, %eq3A_18 : vector<512x196xf32>
    %jit3A_20 = arith.constant 3.000000e+08 : f32
    %broadcast_in_dim3A_21 = vector.broadcast %jit3A_20 : f32 to vector<512x196xf32>
    %select_n3A_22 = arith.select %eq3A_19, %get3A_4, %broadcast_in_dim3A_21 : vector<512x196xi1>, vector<512x196xf32>
    %reduce_min3A_23 = arith.constant dense<0x7F800000> : vector<512xf32>
    %reduce_min3A_24 = vector.multi_reduction <minimumf>, %select_n3A_22, %reduce_min3A_23 [1] : vector<512x196xf32> to vector<512xf32>
    %broadcast_in_dim3A_25 = vector.shape_cast %reduce_min3A_24 : vector<512xf32> to vector<512x1xf32>
    %eq3A_26 = vector.broadcast %broadcast_in_dim3A_25 : vector<512x1xf32> to vector<512x196xf32>
    %eq3A_27 = arith.cmpf oeq, %get3A_4, %eq3A_26 : vector<512x196xf32>
    %jit3A_28 = arith.constant 0xFF800000 : f32
    %broadcast_in_dim3A_29 = vector.broadcast %jit3A_28 : f32 to vector<512x196xf32>
    %select_n3A_30 = arith.select %eq3A_27, %broadcast_in_dim3A_29, %select_n3A_14 : vector<512x196xi1>, vector<512x196xf32>
    %reduce_max3A_31 = arith.constant dense<0xFF800000> : vector<512xf32>
    %reduce_max3A_32 = vector.multi_reduction <maximumf>, %select_n3A_30, %reduce_max3A_31 [1] : vector<512x196xf32> to vector<512xf32>
    %broadcast_in_dim3A_33 = vector.shape_cast %reduce_max3A_32 : vector<512xf32> to vector<512x1xf32>
    %eq3A_34 = vector.broadcast %broadcast_in_dim3A_33 : vector<512x1xf32> to vector<512x196xf32>
    %eq3A_35 = arith.cmpf oeq, %select_n3A_30, %eq3A_34 : vector<512x196xf32>
    %jit3A_36 = arith.constant 3.000000e+08 : f32
    %broadcast_in_dim3A_37 = vector.broadcast %jit3A_36 : f32 to vector<512x196xf32>
    %select_n3A_38 = arith.select %eq3A_35, %get3A_4, %broadcast_in_dim3A_37 : vector<512x196xi1>, vector<512x196xf32>
    %reduce_min3A_39 = arith.constant dense<0x7F800000> : vector<512xf32>
    %reduce_min3A_40 = vector.multi_reduction <minimumf>, %select_n3A_38, %reduce_min3A_39 [1] : vector<512x196xf32> to vector<512xf32>
    %broadcast_in_dim3A_41 = vector.shape_cast %reduce_min3A_40 : vector<512xf32> to vector<512x1xf32>
    %eq3A_42 = vector.broadcast %broadcast_in_dim3A_41 : vector<512x1xf32> to vector<512x196xf32>
    %eq3A_43 = arith.cmpf oeq, %get3A_4, %eq3A_42 : vector<512x196xf32>
    %jit3A_44 = arith.constant 0xFF800000 : f32
    %broadcast_in_dim3A_45 = vector.broadcast %jit3A_44 : f32 to vector<512x196xf32>
    %select_n3A_46 = arith.select %eq3A_43, %broadcast_in_dim3A_45, %select_n3A_30 : vector<512x196xi1>, vector<512x196xf32>
    %reduce_max3A_47 = arith.constant dense<0xFF800000> : vector<512xf32>
    %reduce_max3A_48 = vector.multi_reduction <maximumf>, %select_n3A_46, %reduce_max3A_47 [1] : vector<512x196xf32> to vector<512xf32>
    %broadcast_in_dim3A_49 = vector.shape_cast %reduce_max3A_48 : vector<512xf32> to vector<512x1xf32>
    %eq3A_50 = vector.broadcast %broadcast_in_dim3A_49 : vector<512x1xf32> to vector<512x196xf32>
    %eq3A_51 = arith.cmpf oeq, %select_n3A_46, %eq3A_50 : vector<512x196xf32>
    %jit3A_52 = arith.constant 3.000000e+08 : f32
    %broadcast_in_dim3A_53 = vector.broadcast %jit3A_52 : f32 to vector<512x196xf32>
    %select_n3A_54 = arith.select %eq3A_51, %get3A_4, %broadcast_in_dim3A_53 : vector<512x196xi1>, vector<512x196xf32>
    %reduce_min3A_55 = arith.constant dense<0x7F800000> : vector<512xf32>
    %reduce_min3A_56 = vector.multi_reduction <minimumf>, %select_n3A_54, %reduce_min3A_55 [1] : vector<512x196xf32> to vector<512xf32>
    %broadcast_in_dim3A_57 = vector.shape_cast %reduce_min3A_56 : vector<512xf32> to vector<512x1xf32>
    %concatenate3A = tpu.concatenate %broadcast_in_dim3A, %broadcast_in_dim3A_17, %broadcast_in_dim3A_33, %broadcast_in_dim3A_49 in 1 : vector<512x1xf32>, vector<512x1xf32>, vector<512x1xf32>, vector<512x1xf32> -> vector<512x4xf32>
    %swap3A = arith.constant 0 : index
    %swap3A_58 = arith.constant 0 : index
    %swap3A_59 = vector.load %arg2[%swap3A, %swap3A_58] : memref<512x4xf32, #tpu.memory_space<vmem>>, vector<512x4xf32>
    tpu.vector_store %arg2[%swap3A, %swap3A_58], %concatenate3A {strides = array<i32>} : memref<512x4xf32, #tpu.memory_space<vmem>>, vector<512x4xf32>,
    %concatenate3A_60 = tpu.concatenate %broadcast_in_dim3A_9, %broadcast_in_dim3A_25, %broadcast_in_dim3A_41, %broadcast_in_dim3A_57 in 1 : vector<512x1xf32>, vector<512x1xf32>, vector<512x1xf32>, vector<512x1xf32> -> vector<512x4xf32>
    %convert_element_type3A = arith.fptosi %concatenate3A_60 : vector<512x4xf32> to vector<512x4xi32>
    %swap3A_61 = arith.constant 0 : index
    %swap3A_62 = arith.constant 0 : index
    %swap3A_63 = vector.load %arg3[%swap3A_61, %swap3A_62] : memref<512x4xi32, #tpu.memory_space<vmem>>, vector<512x4xi32>
    tpu.vector_store %arg3[%swap3A_61, %swap3A_62], %convert_element_type3A {strides = array<i32>} : memref<512x4xi32, #tpu.memory_space<vmem>>, vector<512x4xi32>,
    return
  }
}

module attributes {stable_mosaic.version = 14 : i64} {
  func.func @body(%arg0: memref<2048x512xf32, #tpu.memory_space<vmem>>, %arg1: memref<512x512xf32, #tpu.memory_space<vmem>>, %arg2: memref<1x512xf32, #tpu.memory_space<vmem>>, %arg3: memref<2048x512xf32, #tpu.memory_space<vmem>>) attributes {dimension_semantics = [], scalar_prefetch = 0 : i64, scratch_operands = 0 : i64, tpu.core_type = #tpu.core_type<tc>} {
    %get3A = arith.constant 0 : index
    %get3A_0 = arith.constant 0 : index
    %get3A_1 = vector.load %arg0[%get3A, %get3A_0] : memref<2048x512xf32, #tpu.memory_space<vmem>>, vector<2048x512xf32>
    %get3A_2 = arith.constant 0 : index
    %get3A_3 = arith.constant 0 : index
    %get3A_4 = vector.load %arg1[%get3A_2, %get3A_3] : memref<512x512xf32, #tpu.memory_space<vmem>>, vector<512x512xf32>
    %dot_general3A = arith.constant dense<0.000000e+00> : vector<2048x512xf32>
    %dot_general3A_5 = tpu.matmul %get3A_1, %get3A_4, %dot_general3A {dimension_numbers = #tpu.dot_dimension_numbers<[1], [0], [0], [1], [0, 0, 1, 1], [], []>, transpose_lhs_hint = false} : vector<2048x512xf32>, vector<512x512xf32>, vector<2048x512xf32> -> vector<2048x512xf32>
    %get3A_6 = arith.constant 0 : index
    %get3A_7 = arith.constant 0 : index
    %get3A_8 = vector.load %arg2[%get3A_6, %get3A_7] : memref<1x512xf32, #tpu.memory_space<vmem>>, vector<1x512xf32>
    %add3A = vector.broadcast %get3A_8 : vector<1x512xf32> to vector<2048x512xf32>
    %add3A_9 = arith.addf %dot_general3A_5, %add3A : vector<2048x512xf32>
    %swap3A = arith.constant 0 : index
    %swap3A_10 = arith.constant 0 : index
    %swap3A_11 = vector.load %arg3[%swap3A, %swap3A_10] : memref<2048x512xf32, #tpu.memory_space<vmem>>, vector<2048x512xf32>
    tpu.vector_store %arg3[%swap3A, %swap3A_10], %add3A_9 {strides = array<i32>} : memref<2048x512xf32, #tpu.memory_space<vmem>>, vector<2048x512xf32>,
    return
  }
}

</mosaic_0001>

<sc_bundles>
// kernel: kernel.6.cloned.1.call-start
scs
__scs_entry_jumppad:
0x0: {  	(pc) =	sbr.rel $0x88, $3  }
0x1: {  	(tag) =	ssettag $0x0;
	lr =	simm.s32 $0x1  }
0x2: {  	[smem:$0x3F9B] =	sst lr;
	_ =	strace $0xD0000000  }
0x3: {  	_ = 	snop  }
0x4: {  	_ = 	snop  }
0x5: {  	_ = 	snop  }
0x6: {  	_ = 	snop  }
0x7: {  	_ = 	snop  }
__scs_overlays_trampoline_lowered:
0x8: {  	[smem:$0x3FAA] =	sst s0  }
0x9: {  	[smem:$0x3FAB] =	sst s1  }
0xa: {  	[smem:$0x3FAC] =	sst s2  }
0xb: {  	[smem:$0x3FAD] =	sst s3  }
0xc: {  	[smem:$0x3FAE] =	sst s4  }
0xd: {  	[smem:$0x3FAF] =	sst s5  }
0xe: {  	[smem:$0x3FB0] =	sst s6  }
0xf: {  	[smem:$0x3FB1] =	sst s7  }
0x10: {  	[smem:$0x3FB2] =	sst s8  }
0x11: {  	[smem:$0x3FB3] =	sst s9;
	s0 =	simm.s32 @!p0 $0x0  }
0x12: {  	s1 =	sld [smem:$0x3F99];
	s0 =	simm.s32 @p0 $0x1  }
0x13: {  	[smem:$0x3FB4] =	sst s0;
	s0 =	simm.s32 @!p1 $0x0  }
0x14: {  	s2 =	sld [smem:$0x3F98];
	s0 =	simm.s32 @p1 $0x1  }
0x15: {  	[smem:$0x3FB5] =	sst s0;
	s0 =	simm.s32 @!p2 $0x0  }
0x16: {  	s3 =	sld [smem:$0x3FDB];
	s0 =	simm.s32 @p2 $0x1  }
0x17: {  	s4 =	simm.s32 $0x1BF5;
	[smem:$0x3FB7] =	sst s0  }
0x18: {  	s0 =	sld [smem:$0x3F9A];
	_ =	swait.ge [sflag:s4], $0x0  }
0x19: {  	s7 =	sld [smem:$0x3F9B]  }
0x1a: {  	s8 =	sadd.s32 $0xFFFFE003, lr  }
0x1b: {  	s9 =	sadd.s32 $0xFFFFFEF7, lr;
	s5 =	simm.s32 $0xFFFFFFFF;
	p2 =	slt.u32 s8, $0xFFFFF086  }
0x1c: {  	p1 =	slt.u32 s9, $0xF7A;
	s5 =	simm.s32 @!p2 $0x0  }
0x1d: {  	s5 =	simm.s32 @p1 $0x1;
	p0 =	seq.s32 s7, s2  }
0x1e: {  	s7 =	smul.u32 @!p0 $0xF7A, s2;
	p2 =	seq.s32 @!p0 s5, $0x0  }
0x1f: {  	s9 =	smul.u32 $0xF7A, s1;
	s8 =	simm.s32 @!p0 $0x1BF5;
	p2 =	por !p2, p0  }
0x20: {  	[sflag:s8] =	ssyncset.s32 @!p0 $0xFFFFF086;
	s6 =	sadd.s32 @!p0 s3, s7;
	s7 =	simm.s32 @!p0 $0x108  }
0x21: {  	s3 =	sadd.s32 s3, s9;
	s6 =	sadd.s32 @!p0 $0x88, s6;
	s7 =	simm.s32 @p2 $0x1082  }
0x22: {  	[simem:s7], [sflag:s8] =	dma.local @!p0 [hbm:s6], $0xF7A  }
0x23: {  	s9 =	sor.u32 $0xD0000000, s2;
	s6 =	simm.s32 $0x108;
	_ =	swait.ge @!p0 [sflag:s8], $0x0  }
0x24: {  	s3 =	sadd.s32 $0x88, s3;
	s6 =	simm.s32 @!p1 $0x1082;
	[sflag:s4] =	ssyncset.s32 $0xFFFFF086  }
0x25: {  	[simem:s6], [sflag:s4] =	dma.local [hbm:s3], $0xF7A  }
0x26: {  	[smem:$0x3F9B] =	sst s1;
	(tag) =	ssettag s2;
	_ =	strace s9  }
0x27: {  	s1 =	sld [smem:$0x3FAB]  }
0x28: {  	s2 =	sld [smem:$0x3FAC]  }
0x29: {  	s4 =	sld [smem:$0x3FAE]  }
0x2a: {  	p0 =	seq.s32 s5, $0x0;
	s5 =	sld [smem:$0x3FAF]  }
0x2b: {  	s6 =	sld [smem:$0x3FB0]  }
0x2c: {  	s7 =	sld [smem:$0x3FB1]  }
0x2d: {  	s3 =	simm.s32 $0x108;
	s8 =	sld [smem:$0x3FB2]  }
0x2e: {  	s3 =	simm.s32 @!p0 $0x1082;
	s9 =	sld [smem:$0x3FB3]  }
0x2f: {  	lr =	sadd.s32 s0, s3;
	s0 =	sld [smem:$0x3FAA]  }
0x30: {  	s3 =	sld [smem:$0x3FAD]  }
0x31: {  	[smem:$0x3FB6] =	sst s10  }
0x32: {  	s10 =	sld [smem:$0x3FB4];
	_ =	sdelay $0x3  }
0x33: {  	p0 =	seq.s32 s10, $0x1;
	s10 =	sld [smem:$0x3FB6];
	_ =	sdelay $0x3  }
0x34: {  	[smem:$0x3FB6] =	sst s10  }
0x35: {  	s10 =	sld [smem:$0x3FB5];
	_ =	sdelay $0x3  }
0x36: {  	p1 =	seq.s32 s10, $0x1;
	s10 =	sld [smem:$0x3FB6];
	_ =	sdelay $0x3  }
0x37: {  	[smem:$0x3FB6] =	sst s10  }
0x38: {  	s10 =	sld [smem:$0x3FB7]  }
0x39: {  	_ = 	snop;
	(pc) =	sbr.ind lr, $3  }
0x3a: {  	_ = 	snop  }
0x3b: {  	_ = 	snop  }
0x3c: {  	p2 =	seq.s32 s10, $0x1;
	s10 =	sld [smem:$0x3FB6]  }
0x3d: {  	_ =	shalt  }
0x3e: {  	_ =	shalt  }
0x3f: {  	_ =	shalt  }
0x40: {  	_ =	shalt  }
0x41: {  	_ =	shalt  }
0x42: {  	_ =	shalt  }
0x43: {  	_ =	shalt  }
0x44: {  	_ =	shalt  }
0x45: {  	_ =	shalt  }
0x46: {  	_ =	shalt  }
0x47: {  	_ =	shalt  }
0x48: {  	_ =	shalt  }
0x49: {  	_ =	shalt  }
0x4a: {  	_ =	shalt  }
0x4b: {  	_ =	shalt  }
0x4c: {  	_ =	shalt  }
0x4d: {  	_ =	shalt  }
0x4e: {  	_ =	shalt  }
0x4f: {  	_ =	shalt  }
0x50: {  	_ =	shalt  }
0x51: {  	_ =	shalt  }
0x52: {  	_ =	shalt  }
0x53: {  	_ =	shalt  }
0x54: {  	_ =	shalt  }
0x55: {  	_ =	shalt  }
0x56: {  	_ =	shalt  }
0x57: {  	_ =	shalt  }
0x58: {  	_ =	shalt  }
0x59: {  	_ =	shalt  }
0x5a: {  	_ =	shalt  }
0x5b: {  	_ =	shalt  }
0x5c: {  	_ =	shalt  }
0x5d: {  	_ =	shalt  }
0x5e: {  	_ =	shalt  }
0x5f: {  	_ =	shalt  }
0x60: {  	_ =	shalt  }
0x61: {  	_ =	shalt  }
0x62: {  	_ =	shalt  }
0x63: {  	_ =	shalt  }
0x64: {  	_ =	shalt  }
0x65: {  	_ =	shalt  }
0x66: {  	_ =	shalt  }
0x67: {  	_ =	shalt  }
0x68: {  	_ =	shalt  }
0x69: {  	_ =	shalt  }
0x6a: {  	_ =	shalt  }
0x6b: {  	_ =	shalt  }
0x6c: {  	_ =	shalt  }
0x6d: {  	_ =	shalt  }
0x6e: {  	_ =	shalt  }
0x6f: {  	_ =	shalt  }
0x70: {  	_ =	shalt  }
0x71: {  	_ =	shalt  }
0x72: {  	_ =	shalt  }
0x73: {  	_ =	shalt  }
0x74: {  	_ =	shalt  }
0x75: {  	_ =	shalt  }
0x76: {  	_ =	shalt  }
0x77: {  	_ =	shalt  }
0x78: {  	_ =	shalt  }
0x79: {  	_ =	shalt  }
0x7a: {  	_ =	shalt  }
0x7b: {  	_ =	shalt  }
0x7c: {  	_ =	shalt  }
0x7d: {  	_ =	shalt  }
0x7e: {  	_ =	shalt  }
0x7f: {  	_ =	shalt  }
0x80: {  	_ =	shalt  }
0x81: {  	_ =	shalt  }
0x82: {  	_ =	shalt  }
0x83: {  	_ =	shalt  }
0x84: {  	_ =	shalt  }
0x85: {  	_ =	shalt  }
0x86: {  	_ =	shalt  }
0x87: {  	_ =	shalt  }
.Lfunc_end0:
.L_simem_size_0:
called_computation_lowered:
.L_overlay_start_0:
0x88: {  	s2 =	sld [smem:$0x3FD9]  }
0x89: {  	s3 =	sld [smem:$0x3FFE];
	_ =	sdelay $0x1  }
0x8a: {  	s1 =	srdreg.scid  }
0x8b: {  	s0 =	sand.u32 $0x1, s1  }
0x8c: {  	s14 =	sshll.u32 s0, $0xA;
	s2 =	sadd.s32 s3, s2  }
0x8d: {  	s2 =	sadd.s32 s2, s14  }
0x8e: {  	[smem:$0x3FC2] =	sst s2  }
0x8f: {  	_ = 	snop  }
0x90: {  	s2 =	sld [smem:$0x3FD0];
	_ =	sdelay $0x2  }
0x91: {  	s4 =	simm.s32 $0xA;
	s5 =	simm.s32 $0x10;
	s15 =	sld [smem:$0x3FC8]  }
0x92: {  	[smem:s5], [sflag:s4] =	dma.local [hbm:s2], $0x1  }
0x93: {  	_ =	swait.eq [sflag:s4], $0x1  }
0x94: {  	[sflag:s4] =	ssyncset.done $0x0  }
0x95: {  	[sflag:s4] =	ssyncadd.s32 $0xFFFFFFFF  }
0x96: {  	s16 =	sld [smem:$0x12];
	(tm) =	ssettm $0x1  }
0x97: {  	s17 =	sld [smem:$0x3FFB];
	_ =	sdelay $0x3  }
0x98: {  	_ =	strace s17  }
0x99: {  	s4 =	sld [smem:$0x3FFC];
	_ =	sdelay $0x3  }
0x9a: {  	_ =	strace s4  }
0x9b: {  	s4 =	sld [smem:$0x3FFD];
	_ =	sdelay $0x3  }
0x9c: {  	_ =	strace s4  }
0x9d: {  	_ =	strace $0x8FFFFFFF  }
0x9e: {  	s18 =	sld [smem:$0x3FDB];
	_ =	sdelay $0x1  }
0x9f: {  	s19 =	simm.s32 $_scs_section_size  }
0xa0: {  	s6 =	simm.s32 $_size__tile_overlayer_lowered;
	s7 =	simm.s32 $_tile_overlayer_lowered  }
0xa1: {  	s22 =	simm.s32 $0x1BFF;
	s21 =	sshll.u32 s7, $0x1;
	s4 =	sadd.s32 s19, s18  }
0xa2: {  	s8 =	simm.s32 $0x0;
	s20 =	sshll.u32 s6, $0x1;
	s6 =	sadd.s32 s21, s4  }
0xa3: {  	[timem:s8], [sflag:s22] =	dma.local [hbm:s6], s20  }
0xa4: {  	_ =	swait.ge [sflag:s22], s20  }
0xa5: {  	s5 =	ssub.s32 $0x0, s20;
	[sflag:s22] =	ssyncset.done $0x0  }
0xa6: {  	[sflag:s22] =	ssyncadd.s32 s5;
	_ =	sdelay $0x1  }
0xa7: {  	s23 =	simm.s32 $0x1B8B  }
0xa8: {  	_ =	swait.ge [sflag:s23], $0x1  }
0xa9: {  	[sflag:s23] =	ssyncset.done $0x0  }
0xaa: {  	s25 =	simm.s32 $0x1B8E;
	s24 =	sld [smem:$0x3FFE];
	[sflag:s23] =	ssyncadd.s32 $0xFFFFFFFF  }
0xab: {  	s26 =	simm.s32 $execute0_lowered;
	[smem:$0x3FD2] =	sst s25  }
0xac: {  	s6 =	sshll.u32 s26, $0x1;
	_ =	strace $0x80000046;
	[dreg:$0x1] =	wrdreg $0xFFFFFFFF  }
0xad: {  	s28 =	simm.s32 $_size_execute0_lowered;
	s4 =	sadd.s32 s4, s6;
	[dreg:$0x0] =	wrdreg $0x0  }
0xae: {  	s6 =	sshll.u32 s28, $0x1;
	[dreg:$0x2] =	wrdreg s4  }
0xaf: {  	[dreg:$0x3] =	wrdreg s6  }
0xb0: {  	[dreg:$0x4] =	wrdreg $0xC0  }
0xb1: {  	_ =	task [dreg:s8], $0x5FFFF  }
0xb2: {  	[dreg:$0x1] =	wrdreg $0xFFFFFFFF  }
0xb3: {  	[dreg:$0x0] =	wrdreg $0x60  }
0xb4: {  	[dreg:$0x2] =	wrdreg s15  }
0xb5: {  	[dreg:$0x3] =	wrdreg s24  }
0xb6: {  	[dreg:$0x4] =	wrdreg s16  }
0xb7: {  	[dreg:$0x5] =	wrdreg $0x9  }
0xb8: {  	_ =	task.clear_ibuf [dreg:s8], $0x6FFFF;
	_ =	strace $0x90000046  }
0xb9: {  	s29 =	simm.s32 $0x9;
	_ =	strace $0x80000048  }
0xba: {  	_ =	swait.ge [sflag:s29], $0x1  }
0xbb: {  	[sflag:s29] =	ssyncadd.s32 $0xFFFFFFFF  }
0xbc: {  	_ =	strace $0x90000048  }
0xbd: {  	_ =	sfence  }
0xbe: {  	s30 =	sld [smem:$0x0];
	_ =	sdelay $0x2  }
0xbf: {  	s31 =	sshll.u32 s1, $0xD;
	s1 =	sshrl.u32 s1, $0x2  }
0xc0: {  	s3 =	sand.u32 $0x4000, s31;
	s1 =	sadd.s32 s1, s30  }
0xc1: {  	s0 =	sor.u32 s3, s0;
	s1 =	sshll.u32 s1, $0x11  }
0xc2: {  	s0 =	sor.u32 s1, s0  }
0xc3: {  	s0 =	sadd.s32 $0x8F2B, s0  }
0xc4: {  	[sflag:s0] =	ssyncadd.remote.s32 $0x1  }
0xc5: {  	_ =	sfence.sel $0xFFFF  }
0xc6: {  	[dreg:$0x0] =	wrdreg $0xFFFFFFFF;
	(pc) =	sbr.abs _section_cstart, $3  }
0xc7: {  	[dreg:$0x1] =	wrdreg $0xFFFFFFFF  }
0xc8: {  	_ =	task.clear_ibuf [dreg:s8], $0x2FFFF;
	_ =	strace $0x9FFFFFFF  }
0xc9: {  	(tm) =	ssettm $0x7FFFFFFF  }
tec
execute0_lowered:
.L_overlay_start_1:
0x0: {  	(tag) =	ssettag $0x1  }
0x1: {  	s1 =	rddreg [dreg:$0x0]  }
0x2: {  	s2 =	srdreg.scid;
	s4 =	rddreg [dreg:$0x1]  }
0x3: {  	s0 =	stileid.u32;
	s6 =	rddreg [dreg:$0x2]  }
0x4: {  	s3 =	simm.s32 $0x0;
	s9 =	simm.s32 $0x80;
	s10 =	simm.s32 $0x880  }
0x5: {  	s11 =	simm.s32 $0x1080;
	s12 =	simm.s32 $0x1880;
	s13 =	simm.s32 $0x2080  }
0x6: {  	s14 =	simm.s32 $0x2880;
	s15 =	simm.s32 $0x3080;
	s16 =	simm.s32 $0x3880  }
0x7: {  	s17 =	simm.s32 $0x4080;
	s18 =	simm.s32 $0x4880;
	s19 =	simm.s32 $0x5080  }
0x8: {  	s20 =	simm.s32 $0x5880;
	s21 =	simm.s32 $0x6080;
	s22 =	simm.s32 $0x6880  }
0x9: {  	s23 =	simm.s32 $0x7080;
	s24 =	simm.s32 $0x7880;
	s5 =	sand.u32 $0x1, s2  }
0xa: {  	s7 =	sshll.u32 s0, $0x7;
	s2 =	rddreg [dreg:$0x3];
	s8 =	sshll.u32 s5, $0x6  }
0xb: {  	s25 =	simm.s32 $0x1;
	[smem:$0x7FF] =	sst s3;
	s7 =	sor.u32 s8, s7  }
0xc: {  	s5 =	ssub.s32 $0x2, s5;
	_ =	strace $0x80000047;
	s8 =	sshrl.u32 s7, $0x3  }
0xd: {  	v2 =	vlaneseq.u32;
	s31 =	sshrl.u32 s5, $0x1;
	s7 =	sshll.u32 s7, $0x6;
	s4 =	sadd.s32 s8, s4  }
0xe: {  	vm0 =	vmmov $0xffff;
	v1 =	vshrl.u32 v2, $0x3;
	s8 =	ssub.s32 s5, s31;
	s5 =	sadd.s32 $0x100, s1;
	s6 =	sadd.s32 s6, s7  }
0xf: {  	v0 =	vand.u32 $0x7, v2;
	v2 =	vor.u32 $0x8, v2;
	v1 =	vmul.u32 $0x8, v1;
	s4 =	sadd.s32 $0x5600, s4;
	s7 =	smax.u32 s8, $0x1;
	s8 =	simm.s32 $0x2  }
.LBB2_1:
0x10: {  	[tilespmem:s3], [sflag:$0x2] =	stream.linear.gather [hbm4b:s4+s3], $0x40, $0x38;
	[tilespmem:$0x8080] =	vst v63  }
0x11: {  	_ =	swait.ge [sflag:s8], $0x40  }
0x12: {  	[sflag:s8] =	ssyncset.done $0x0  }
0x13: {  	[sflag:s8] =	ssyncadd.s32 $0xFFFFFFC0  }
0x14: {  	v3 =	vld [tilespmem:$0x0];
	_ =	sdelay $0x4  }
0x15: {  	v4 =	vshll.u32 v3, $0x2  }
0x16: {  	v3 =	vand.u32 $0x7, v3;
	v4 =	vand.u32 $0xFFFFFFE0, v4  }
0x17: {  	v3 =	vor.u32 v3, v4  }
0x18: {  	v4 =	vperm.xlane v3, v0;
	_ =	sdelay $0x1  }
0x19: {  	v4 =	vadd.s32 v1, v4;
	_ =	sdelay $0x1  }
0x1a: {  	v3 =	vperm.xlane v3, v2;
	_ =	sdelay $0x1  }
0x1b: {  	v3 =	vadd.s32 v1, v3  }
0x1c: {  	[tilespmem:s9], [sflag:$0x1] =	stream.indirect_vreg.gather [hbm4b:s1+s3], $0x80, v4, vm0, $0xb8;
	[tilespmem:$0x8080] =	vst v63  }
0x1d: {  	_ = 	snop  }
0x1e: {  	[tilespmem:s10], [sflag:$0x1] =	stream.indirect_vreg.gather [hbm4b:s5+s3], $0x80, v4, vm0, $0xb8;
	[tilespmem:$0x8080] =	vst v63  }
0x1f: {  	_ = 	snop  }
0x20: {  	[tilespmem:s11], [sflag:$0x1] =	stream.indirect_vreg.gather [hbm4b:s1+s3], $0x80, v3, vm0, $0xb8;
	[tilespmem:$0x8080] =	vst v63  }
0x21: {  	_ = 	snop  }
0x22: {  	[tilespmem:s12], [sflag:$0x1] =	stream.indirect_vreg.gather [hbm4b:s5+s3], $0x80, v3, vm0, $0xb8;
	[tilespmem:$0x8080] =	vst v63  }
0x23: {  	v3 =	vld [tilespmem:$0x10];
	_ =	sdelay $0x4  }
0x24: {  	v61 =	vshll.u32 v3, $0x2  }
0x25: {  	v3 =	vand.u32 $0x7, v3;
	v4 =	vand.u32 $0xFFFFFFE0, v61  }
0x26: {  	v3 =	vor.u32 v3, v4  }
0x27: {  	v4 =	vperm.xlane v3, v0;
	_ =	sdelay $0x1  }
0x28: {  	v4 =	vadd.s32 v1, v4;
	_ =	sdelay $0x1  }
0x29: {  	v3 =	vperm.xlane v3, v2;
	_ =	sdelay $0x1  }
0x2a: {  	v3 =	vadd.s32 v1, v3  }
0x2b: {  	[tilespmem:s13], [sflag:$0x1] =	stream.indirect_vreg.gather [hbm4b:s1+s3], $0x80, v4, vm0, $0xb8;
	[tilespmem:$0x8080] =	vst v63  }
0x2c: {  	_ = 	snop  }
0x2d: {  	[tilespmem:s14], [sflag:$0x1] =	stream.indirect_vreg.gather [hbm4b:s5+s3], $0x80, v4, vm0, $0xb8;
	[tilespmem:$0x8080] =	vst v63  }
0x2e: {  	_ = 	snop  }
0x2f: {  	[tilespmem:s15], [sflag:$0x1] =	stream.indirect_vreg.gather [hbm4b:s1+s3], $0x80, v3, vm0, $0xb8;
	[tilespmem:$0x8080] =	vst v63  }
0x30: {  	_ = 	snop  }
0x31: {  	[tilespmem:s16], [sflag:$0x1] =	stream.indirect_vreg.gather [hbm4b:s5+s3], $0x80, v3, vm0, $0xb8;
	[tilespmem:$0x8080] =	vst v63  }
0x32: {  	v3 =	vld [tilespmem:$0x20];
	_ =	sdelay $0x4  }
0x33: {  	v62 =	vshll.u32 v3, $0x2  }
0x34: {  	v3 =	vand.u32 $0x7, v3;
	v4 =	vand.u32 $0xFFFFFFE0, v62  }
0x35: {  	v3 =	vor.u32 v3, v4  }
0x36: {  	v4 =	vperm.xlane v3, v0;
	_ =	sdelay $0x1  }
0x37: {  	v4 =	vadd.s32 v1, v4;
	_ =	sdelay $0x1  }
0x38: {  	v3 =	vperm.xlane v3, v2;
	_ =	sdelay $0x1  }
0x39: {  	v3 =	vadd.s32 v1, v3  }
0x3a: {  	[tilespmem:s17], [sflag:$0x1] =	stream.indirect_vreg.gather [hbm4b:s1+s3], $0x80, v4, vm0, $0xb8;
	[tilespmem:$0x8080] =	vst v63  }
0x3b: {  	_ = 	snop  }
0x3c: {  	[tilespmem:s18], [sflag:$0x1] =	stream.indirect_vreg.gather [hbm4b:s5+s3], $0x80, v4, vm0, $0xb8;
	[tilespmem:$0x8080] =	vst v63  }
0x3d: {  	_ = 	snop  }
0x3e: {  	[tilespmem:s19], [sflag:$0x1] =	stream.indirect_vreg.gather [hbm4b:s1+s3], $0x80, v3, vm0, $0xb8;
	[tilespmem:$0x8080] =	vst v63  }
0x3f: {  	_ = 	snop  }
0x40: {  	[tilespmem:s20], [sflag:$0x1] =	stream.indirect_vreg.gather [hbm4b:s5+s3], $0x80, v3, vm0, $0xb8;
	[tilespmem:$0x8080] =	vst v63  }
0x41: {  	v3 =	vld [tilespmem:$0x30];
	_ =	sdelay $0x4  }
0x42: {  	v63 =	vshll.u32 v3, $0x2  }
0x43: {  	v3 =	vand.u32 $0x7, v3;
	v4 =	vand.u32 $0xFFFFFFE0, v63  }
0x44: {  	v3 =	vor.u32 v3, v4  }
0x45: {  	v4 =	vperm.xlane v3, v0;
	_ =	sdelay $0x1  }
0x46: {  	v4 =	vadd.s32 v1, v4;
	_ =	sdelay $0x1  }
0x47: {  	v3 =	vperm.xlane v3, v2;
	_ =	sdelay $0x1  }
0x48: {  	v3 =	vadd.s32 v1, v3  }
0x49: {  	[tilespmem:s21], [sflag:$0x1] =	stream.indirect_vreg.gather [hbm4b:s1+s3], $0x80, v4, vm0, $0xb8;
	[tilespmem:$0x8080] =	vst v63  }
0x4a: {  	_ = 	snop  }
0x4b: {  	[tilespmem:s22], [sflag:$0x1] =	stream.indirect_vreg.gather [hbm4b:s5+s3], $0x80, v4, vm0, $0xb8;
	[tilespmem:$0x8080] =	vst v63  }
0x4c: {  	_ = 	snop  }
0x4d: {  	[tilespmem:s23], [sflag:$0x1] =	stream.indirect_vreg.gather [hbm4b:s1+s3], $0x80, v3, vm0, $0xb8;
	[tilespmem:$0x8080] =	vst v63  }
0x4e: {  	_ = 	snop  }
0x4f: {  	[tilespmem:s24], [sflag:$0x1] =	stream.indirect_vreg.gather [hbm4b:s5+s3], $0x80, v3, vm0, $0xb8;
	[tilespmem:$0x8080] =	vst v63  }
0x50: {  	_ =	swait.ge [sflag:s25], $0x8000  }
0x51: {  	p0 =	sne.s32 s7, $0x1;
	[sflag:s25] =	ssyncset.done $0x0  }
.Ltmp0:
0x52: {  	[sflag:s25] =	ssyncadd.s32 $0xFFFF8000;
	(pc) =	sbr.rel @p0 .LBB2_1-.Ltmp0, $4  }
0x53: {  	[hbm4b:s6+s3] =	stream.linear.scatter [tilespmem:s9], [sflag:$0x2], $0x8000, $0x38;
	[tilespmem:$0x8080] =	vst v63  }
0x54: {  	_ =	swait.ge [sflag:s8], $0x8000  }
0x55: {  	[sflag:s8] =	ssyncset.done $0x0  }
0x56: {  	s7 =	sadd.s32 $0xFFFFFFFF, s7;
	[sflag:s8] =	ssyncadd.s32 $0xFFFF8000  }
0x57: {  	_ =	sfence.sel $0x180000  }
0x58: {  	[bflag:$0x0] =	sbarrier.arrive $0xFFFF  }
0x59: {  	p0 =	sne.s32 s0, $0x0;
	_ =	strace $0x90000047  }
0x5a: {  	s0 =	sadd.s32 @!p0 $0x100000, s2;
	[bflag:$0x2] =	sbarrier.arrive $0xFFFF  }
0x5b: {  	[sflag:s0] =	ssyncadd.tile.s32 @!p0 $0x1;
	_ =	shalt  }
.Lfunc_end2:
_tile_overlayer_lowered:
.L_overlay_start_2:
0x5c: {  	(tag) =	ssettag $0x2  }
0x5d: {  	s0 =	rddreg [dreg:$0x0];
	s2 =	stileid.u32  }
0x5e: {  	s1 =	rddreg [dreg:$0x1];
	p0 =	sne.s32 s2, $0x0  }
0x5f: {  	s3 =	rddreg [dreg:$0x2];
	[bflag:$0x3] =	sbarrier.arrive $0xFFFF;
	s2 =	simm.s32 @!p0 $0x1C02  }
0x60: {  	[timem:s3], [sflag:s2] =	dma.local @!p0 [hbm:s0], s1  }
0x61: {  	s0 =	simm.s32 @!p0 $0x2  }
0x62: {  	_ =	swait.ge @!p0 [sflag:s0], s1  }
0x63: {  	s1 =	ssub.s32 @!p0 $0x0, s1;
	[sflag:s0] =	ssyncset.done @!p0 $0x0  }
0x64: {  	[sflag:s0] =	ssyncadd.s32 @!p0 s1  }
0x65: {  	[bflag:$0x3] =	sbarrier.arrive $0xFFFF  }
0x66: {  	_ =	shalt  }

</sc_bundles>
